<compile_context>
chip_gen: v7x
topology: tpu7x:2x2x1
jax: 0.10.2.dev20260603
libtpu: 0.0.44.dev20260713+nightly
codegen_flags: <defaults>
</compile_context>

<pallas_src>
import functools

import jax
import jax.numpy as jnp
from jax import lax
from jax.experimental import pallas as pl
from jax.experimental.pallas import tpu as pltpu
from jax.experimental.pallas import tpu_sc as plsc

E = 8
K = 2
D = 768
T = 32768
LANES = 16
NUM_CORES = 2
NUM_SUBCORES = 16
NW = NUM_CORES * NUM_SUBCORES
TM = 4096
TCH = T
TPW = TCH // NW


def _logits_body(w_ref, h_ref, out_ref, flat_ref):
    t = lax.dot_general(
        w_ref[...], h_ref[...], (((1,), (1,)), ((), ())),
        preferred_element_type=jnp.float32,
        precision=lax.Precision.DEFAULT,
    )
    out_ref[...] = t
    flat_ref[...] = jnp.concatenate(
        [t[:, 128 * a:128 * (a + 1)].reshape(E * 128) for a in range(TM // 128)]
    )


def _logits_tc(h, W):
    return pl.pallas_call(
        _logits_body,
        grid=(TCH // TM,),
        in_specs=[
            pl.BlockSpec((E, D), lambda i: (0, 0)),
            pl.BlockSpec((TM, D), lambda i: (i, 0)),
        ],
        out_specs=[
            pl.BlockSpec((E, TM), lambda i: (0, i)),
            pl.BlockSpec((TM * E,), lambda i: (i,)),
        ],
        out_shape=[
            jax.ShapeDtypeStruct((E, TCH), jnp.float32),
            jax.ShapeDtypeStruct((TCH * E,), jnp.float32),
        ],
    )(W, h)


def _route_body(logits_hbm, w_hbm, i_hbm, lg_v, w_v, i_v, sem):
    wid = lax.axis_index("c") * NUM_SUBCORES + lax.axis_index("s")
    base = wid * TPW
    pltpu.async_copy(
        logits_hbm.at[pl.ds(base * E, TPW * E)], lg_v, sem).wait()

    iota = lax.broadcasted_iota(jnp.int32, (LANES,), 0)
    zeros = jnp.zeros((LANES,), jnp.int32)
    ones = jnp.full((LANES,), 1, jnp.int32)

    @pl.loop(0, TPW, step=LANES)
    def _chunk(t0):
        blk = (t0 // 128) * (128 * E) + (t0 % 128)
        l0 = lg_v[pl.ds(blk, LANES)]
        l1 = lg_v[pl.ds(blk + 128, LANES)]
        gt = l1 > l0
        best = jnp.where(gt, l1, l0)
        bidx = jnp.where(gt, ones, zeros)
        second = jnp.where(gt, l0, l1)
        sidx = jnp.where(gt, zeros, ones)
        for e in range(2, E):
            ev = jnp.full((LANES,), e, jnp.int32)
            le = lg_v[pl.ds(blk + 128 * e, LANES)]
            gt_b = le > best
            gt_s = le > second
            second = jnp.where(gt_b, best, jnp.where(gt_s, le, second))
            sidx = jnp.where(gt_b, bidx, jnp.where(gt_s, ev, sidx))
            best = jnp.where(gt_b, le, best)
            bidx = jnp.where(gt_b, ev, bidx)
        r = jnp.exp(second - best)
        denom = r + 1.0
        pos = (t0 // 128) * 256 + (t0 % 128)
        w_v[pl.ds(pos, LANES)] = 1.0 / denom
        w_v[pl.ds(pos + 128, LANES)] = r / denom
        i_v[pl.ds(pos, LANES)] = bidx
        i_v[pl.ds(pos + 128, LANES)] = sidx

    outs = [
        pltpu.async_copy(w_v, w_hbm.at[pl.ds(base * K, TPW * K)], sem),
        pltpu.async_copy(i_v, i_hbm.at[pl.ds(base * K, TPW * K)], sem),
    ]
    for c in outs:
        c.wait()


@functools.cache
def _route_sc():
    return pl.kernel(
        _route_body,
        out_type=[
            jax.ShapeDtypeStruct((K * TCH,), jnp.float32),
            jax.ShapeDtypeStruct((K * TCH,), jnp.int32),
        ],
        mesh=plsc.VectorSubcoreMesh(
            core_axis_name="c", subcore_axis_name="s",
            num_cores=NUM_CORES, num_subcores=NUM_SUBCORES,
        ),
        scratch_types=[
            pltpu.VMEM((E * TPW,), jnp.float32),
            pltpu.VMEM((K * TPW,), jnp.float32),
            pltpu.VMEM((K * TPW,), jnp.int32),
            pltpu.SemaphoreType.DMA,
        ],
        compiler_params=pltpu.CompilerParams(needs_layout_passes=False),
    )


def _untangle(flat):
    return flat.reshape(T // 128, K, 128).transpose(0, 2, 1).reshape(T, K)


def kernel(hidden_states, W):
    logits_t, lg_flat = _logits_tc(hidden_states, W)
    w_flat, i_flat = _route_sc()(lg_flat)
    return (
        logits_t.T,
        _untangle(w_flat),
        _untangle(i_flat),
    )

# --- scband reference (transcript-rebuilt; emitter-appended) ---
"""Pipeline reference for scband-top-krouter-28741921145174 (READ-ONLY COPY).

The authoritative reference and input builder live on the scoring server;
editing this copy changes nothing except your own understanding.
"""

import jax, jax.numpy as jnp
import numpy as np

NUM_EXPERTS = 8
TOP_K = 2
HIDDEN = 768
TOKENS = 32768

def setup_inputs(seed: int = 0) -> dict:
    key = jax.random.key(seed)
    k1, k2 = jax.random.split(key)
    hidden_states = jax.random.normal(k1, (TOKENS, HIDDEN), dtype=jnp.float32)
    # nn.Linear(hidden_size, num_experts, bias=False).weight has shape [num_experts, hidden_size]
    W = jax.random.normal(k2, (NUM_EXPERTS, HIDDEN), dtype=jnp.float32) * (1.0 / np.sqrt(HIDDEN))
    return {"hidden_states": hidden_states, "W": W}

def reference(hidden_states, W):
    # router_logits = self.weight(hidden_states)  (Linear, no bias)
    router_logits = hidden_states @ W.T
    # eval mode / available_experts=None -> no masking branch
    routing_weights = jax.nn.softmax(router_logits.astype(jnp.float32), axis=1)
    routing_weights, selected_experts = jax.lax.top_k(routing_weights, TOP_K)
    # norm_topk_prob = True
    routing_weights = routing_weights / jnp.sum(routing_weights, axis=-1, keepdims=True)
    return (router_logits, routing_weights.astype(hidden_states.dtype), selected_experts)

if __name__ == "__main__":
    import jax
    _d = setup_inputs()
    print(jax.jit(kernel)(*tuple(_d.values())))

</pallas_src>

<mosaic_0001>
#map = affine_map<(d0, d1) -> (0)>
module attributes {stable_mosaic.version = 14 : i64} {
  func.func @_route_body(%arg0: i32, %arg1: i32, %arg2: memref<262144xf32, #tpu.memory_space<hbm>>, %arg3: memref<65536xf32, #tpu.memory_space<hbm>>, %arg4: memref<65536xi32, #tpu.memory_space<hbm>>, %arg5: memref<8192xf32, #tpu.memory_space<vmem>>, %arg6: memref<2048xf32, #tpu.memory_space<vmem>>, %arg7: memref<2048xi32, #tpu.memory_space<vmem>>, %arg8: memref<!tpu.dma_semaphore, #tpu.memory_space<semaphore_mem>>) attributes {dimension_semantics = [#tpu.dimension_semantics<core_parallel>, #tpu.dimension_semantics<subcore_parallel>], iteration_bounds = array<i64: 2, 16>, scalar_prefetch = 0 : i64, scratch_operands = 4 : i64, tpu.core_type = #tpu.core_type<sc_vector_subcore>, window_params = [{transform_indices = #map}, {transform_indices = #map}, {transform_indices = #map}]} {
    %mul3A = arith.constant 16 : i32
    %mul3A_0 = arith.muli %arg0, %mul3A : i32
    %add3A = arith.addi %mul3A_0, %arg1 : i32
    %mul3A_1 = arith.constant 1024 : i32
    %mul3A_2 = arith.muli %add3A, %mul3A_1 : i32
    %mul3A_3 = arith.constant 8 : i32
    %mul3A_4 = arith.muli %mul3A_2, %mul3A_3 : i32
    %dma_start3A = tpu.memref_slice %arg2[%mul3A_4] : memref<262144xf32, #tpu.memory_space<hbm>> -> memref<8192xf32, #tpu.memory_space<hbm>>
    %dma_start3A_5 = tpu.memref_slice %arg2[%mul3A_4] : memref<262144xf32, #tpu.memory_space<hbm>> -> memref<8192xf32, #tpu.memory_space<hbm>>
    tpu.enqueue_dma source(%dma_start3A_5 : memref<8192xf32, #tpu.memory_space<hbm>>) target(%arg5 : memref<8192xf32, #tpu.memory_space<vmem>>) target_semaphore(%arg8 : memref<!tpu.dma_semaphore, #tpu.memory_space<semaphore_mem>>)
    %dma_wait3A = tpu.memref_slice %arg2[%mul3A_4] : memref<262144xf32, #tpu.memory_space<hbm>> -> memref<8192xf32, #tpu.memory_space<hbm>>
    %dma_wait3A_6 = tpu.memref_slice %arg2[%mul3A_4] : memref<262144xf32, #tpu.memory_space<hbm>> -> memref<8192xf32, #tpu.memory_space<hbm>>
    tpu.wait_dma2 semaphore(%arg8 : memref<!tpu.dma_semaphore, #tpu.memory_space<semaphore_mem>>) src(%dma_wait3A_6 : memref<8192xf32, #tpu.memory_space<hbm>>) dst(%arg5 : memref<8192xf32, #tpu.memory_space<vmem>>)
    %iota3A = tpu.iota {dimensions = array<i32: 0>} : vector<16xi32>
    %broadcast_in_dim3A = arith.constant 0 : i32
    %broadcast_in_dim3A_7 = vector.broadcast %broadcast_in_dim3A : i32 to vector<16xi32>
    %broadcast_in_dim3A_8 = arith.constant 1 : i32
    %broadcast_in_dim3A_9 = vector.broadcast %broadcast_in_dim3A_8 : i32 to vector<16xi32>
    %scan3A = arith.constant 0 : i32
    %scan3A_10 = arith.constant 64 : i32
    %scan3A_11 = arith.addi %scan3A, %scan3A_10 : i32
    %scan3A_12 = arith.constant 1 : i32
    scf.for %scan3A_26 = %scan3A to %scan3A_11 step %scan3A_12  : i32 {
      %mul3A_27 = arith.constant 16 : i32
      %mul3A_28 = arith.muli %scan3A_26, %mul3A_27 : i32
      %add3A_29 = arith.constant 0 : i32
      %add3A_30 = arith.addi %add3A_29, %mul3A_28 : i32
      %jit3A = arith.constant 128 : i32
      %div3A = arith.divsi %add3A_30, %jit3A : i32
      %sign3A = arith.constant 0 : i32
      %sign3A_31 = arith.cmpi sgt, %add3A_30, %sign3A : i32
      %sign3A_32 = arith.extui %sign3A_31 : i1 to i32
      %sign3A_33 = arith.constant 0 : i32
      %sign3A_34 = arith.cmpi slt, %add3A_30, %sign3A_33 : i32
      %sign3A_35 = arith.extui %sign3A_34 : i1 to i32
      %sign3A_36 = arith.subi %sign3A_32, %sign3A_35 : i32
      %sign3A_37 = arith.constant 0 : i32
      %sign3A_38 = arith.cmpi sgt, %jit3A, %sign3A_37 : i32
      %sign3A_39 = arith.extui %sign3A_38 : i1 to i32
      %sign3A_40 = arith.constant 0 : i32
      %sign3A_41 = arith.cmpi slt, %jit3A, %sign3A_40 : i32
      %sign3A_42 = arith.extui %sign3A_41 : i1 to i32
      %sign3A_43 = arith.subi %sign3A_39, %sign3A_42 : i32
      %ne3A = arith.cmpi ne, %sign3A_36, %sign3A_43 : i32
      %rem3A = arith.remsi %add3A_30, %jit3A : i32
      %ne3A_44 = arith.constant 0 : i32
      %ne3A_45 = arith.cmpi ne, %rem3A, %ne3A_44 : i32
      %and3A = arith.andi %ne3A, %ne3A_45 : i1
      %sub3A = arith.constant 1 : i32
      %sub3A_46 = arith.subi %div3A, %sub3A : i32
      %select_n3A = arith.select %and3A, %sub3A_46, %div3A : i32
      %mul3A_47 = arith.constant 1024 : i32
      %mul3A_48 = arith.muli %select_n3A, %mul3A_47 : i32
      %jit3A_49 = arith.constant 128 : i32
      %eq3A = arith.constant 0 : i32
      %eq3A_50 = arith.cmpi eq, %jit3A_49, %eq3A : i32
      %jit3A_51 = arith.constant 1 : i32
      %select_n3A_52 = arith.select %eq3A_50, %jit3A_51, %jit3A_49 : i32
      %rem3A_53 = arith.remsi %add3A_30, %select_n3A_52 : i32
      %ne3A_54 = arith.constant 0 : i32
      %ne3A_55 = arith.cmpi ne, %rem3A_53, %ne3A_54 : i32
      %lt3A = arith.constant 0 : i32
      %lt3A_56 = arith.cmpi slt, %rem3A_53, %lt3A : i32
      %lt3A_57 = arith.constant 0 : i32
      %lt3A_58 = arith.cmpi slt, %select_n3A_52, %lt3A_57 : i32
      %ne3A_59 = arith.xori %lt3A_56, %lt3A_58 : i1
      %and3A_60 = arith.andi %ne3A_59, %ne3A_55 : i1
      %add3A_61 = arith.addi %rem3A_53, %select_n3A_52 : i32
      %select_n3A_62 = arith.select %and3A_60, %add3A_61, %rem3A_53 : i32
      %add3A_63 = arith.addi %mul3A_48, %select_n3A_62 : i32
      %get3A = arith.index_cast %add3A_63 : i32 to index
      %get3A_64 = tpu.vector_load %arg5[%get3A] {strides = array<i32>} : memref<8192xf32, #tpu.memory_space<vmem>>, vector<16xf32>,
      %add3A_65 = arith.constant 128 : i32
      %add3A_66 = arith.addi %add3A_63, %add3A_65 : i32
      %get3A_67 = arith.index_cast %add3A_66 : i32 to index
      %get3A_68 = tpu.vector_load %arg5[%get3A_67] {strides = array<i32>} : memref<8192xf32, #tpu.memory_space<vmem>>, vector<16xf32>,
      %gt3A = arith.cmpf ogt, %get3A_68, %get3A_64 : vector<16xf32>
      %select_n3A_69 = arith.select %gt3A, %get3A_68, %get3A_64 : vector<16xi1>, vector<16xf32>
      %select_n3A_70 = arith.select %gt3A, %broadcast_in_dim3A_9, %broadcast_in_dim3A_7 : vector<16xi1>, vector<16xi32>
      %select_n3A_71 = arith.select %gt3A, %get3A_64, %get3A_68 : vector<16xi1>, vector<16xf32>
      %select_n3A_72 = arith.select %gt3A, %broadcast_in_dim3A_7, %broadcast_in_dim3A_9 : vector<16xi1>, vector<16xi32>
      %broadcast_in_dim3A_73 = arith.constant 2 : i32
      %broadcast_in_dim3A_74 = vector.broadcast %broadcast_in_dim3A_73 : i32 to vector<16xi32>
      %add3A_75 = arith.constant 256 : i32
      %add3A_76 = arith.addi %add3A_63, %add3A_75 : i32
      %get3A_77 = arith.index_cast %add3A_76 : i32 to index
      %get3A_78 = tpu.vector_load %arg5[%get3A_77] {strides = array<i32>} : memref<8192xf32, #tpu.memory_space<vmem>>, vector<16xf32>,
      %gt3A_79 = arith.cmpf ogt, %get3A_78, %select_n3A_69 : vector<16xf32>
      %gt3A_80 = arith.cmpf ogt, %get3A_78, %select_n3A_71 : vector<16xf32>
      %select_n3A_81 = arith.select %gt3A_80, %get3A_78, %select_n3A_71 : vector<16xi1>, vector<16xf32>
      %select_n3A_82 = arith.select %gt3A_79, %select_n3A_69, %select_n3A_81 : vector<16xi1>, vector<16xf32>
      %select_n3A_83 = arith.select %gt3A_80, %broadcast_in_dim3A_74, %select_n3A_72 : vector<16xi1>, vector<16xi32>
      %select_n3A_84 = arith.select %gt3A_79, %select_n3A_70, %select_n3A_83 : vector<16xi1>, vector<16xi32>
      %select_n3A_85 = arith.select %gt3A_79, %get3A_78, %select_n3A_69 : vector<16xi1>, vector<16xf32>
      %select_n3A_86 = arith.select %gt3A_79, %broadcast_in_dim3A_74, %select_n3A_70 : vector<16xi1>, vector<16xi32>
      %broadcast_in_dim3A_87 = arith.constant 3 : i32
      %broadcast_in_dim3A_88 = vector.broadcast %broadcast_in_dim3A_87 : i32 to vector<16xi32>
      %add3A_89 = arith.constant 384 : i32
      %add3A_90 = arith.addi %add3A_63, %add3A_89 : i32
      %get3A_91 = arith.index_cast %add3A_90 : i32 to index
      %get3A_92 = tpu.vector_load %arg5[%get3A_91] {strides = array<i32>} : memref<8192xf32, #tpu.memory_space<vmem>>, vector<16xf32>,
      %gt3A_93 = arith.cmpf ogt, %get3A_92, %select_n3A_85 : vector<16xf32>
      %gt3A_94 = arith.cmpf ogt, %get3A_92, %select_n3A_82 : vector<16xf32>
      %select_n3A_95 = arith.select %gt3A_94, %get3A_92, %select_n3A_82 : vector<16xi1>, vector<16xf32>
      %select_n3A_96 = arith.select %gt3A_93, %select_n3A_85, %select_n3A_95 : vector<16xi1>, vector<16xf32>
      %select_n3A_97 = arith.select %gt3A_94, %broadcast_in_dim3A_88, %select_n3A_84 : vector<16xi1>, vector<16xi32>
      %select_n3A_98 = arith.select %gt3A_93, %select_n3A_86, %select_n3A_97 : vector<16xi1>, vector<16xi32>
      %select_n3A_99 = arith.select %gt3A_93, %get3A_92, %select_n3A_85 : vector<16xi1>, vector<16xf32>
      %select_n3A_100 = arith.select %gt3A_93, %broadcast_in_dim3A_88, %select_n3A_86 : vector<16xi1>, vector<16xi32>
      %broadcast_in_dim3A_101 = arith.constant 4 : i32
      %broadcast_in_dim3A_102 = vector.broadcast %broadcast_in_dim3A_101 : i32 to vector<16xi32>
      %add3A_103 = arith.constant 512 : i32
      %add3A_104 = arith.addi %add3A_63, %add3A_103 : i32
      %get3A_105 = arith.index_cast %add3A_104 : i32 to index
      %get3A_106 = tpu.vector_load %arg5[%get3A_105] {strides = array<i32>} : memref<8192xf32, #tpu.memory_space<vmem>>, vector<16xf32>,
      %gt3A_107 = arith.cmpf ogt, %get3A_106, %select_n3A_99 : vector<16xf32>
      %gt3A_108 = arith.cmpf ogt, %get3A_106, %select_n3A_96 : vector<16xf32>
      %select_n3A_109 = arith.select %gt3A_108, %get3A_106, %select_n3A_96 : vector<16xi1>, vector<16xf32>
      %select_n3A_110 = arith.select %gt3A_107, %select_n3A_99, %select_n3A_109 : vector<16xi1>, vector<16xf32>
      %select_n3A_111 = arith.select %gt3A_108, %broadcast_in_dim3A_102, %select_n3A_98 : vector<16xi1>, vector<16xi32>
      %select_n3A_112 = arith.select %gt3A_107, %select_n3A_100, %select_n3A_111 : vector<16xi1>, vector<16xi32>
      %select_n3A_113 = arith.select %gt3A_107, %get3A_106, %select_n3A_99 : vector<16xi1>, vector<16xf32>
      %select_n3A_114 = arith.select %gt3A_107, %broadcast_in_dim3A_102, %select_n3A_100 : vector<16xi1>, vector<16xi32>
      %broadcast_in_dim3A_115 = arith.constant 5 : i32
      %broadcast_in_dim3A_116 = vector.broadcast %broadcast_in_dim3A_115 : i32 to vector<16xi32>
      %add3A_117 = arith.constant 640 : i32
      %add3A_118 = arith.addi %add3A_63, %add3A_117 : i32
      %get3A_119 = arith.index_cast %add3A_118 : i32 to index
      %get3A_120 = tpu.vector_load %arg5[%get3A_119] {strides = array<i32>} : memref<8192xf32, #tpu.memory_space<vmem>>, vector<16xf32>,
      %gt3A_121 = arith.cmpf ogt, %get3A_120, %select_n3A_113 : vector<16xf32>
      %gt3A_122 = arith.cmpf ogt, %get3A_120, %select_n3A_110 : vector<16xf32>
      %select_n3A_123 = arith.select %gt3A_122, %get3A_120, %select_n3A_110 : vector<16xi1>, vector<16xf32>
      %select_n3A_124 = arith.select %gt3A_121, %select_n3A_113, %select_n3A_123 : vector<16xi1>, vector<16xf32>
      %select_n3A_125 = arith.select %gt3A_122, %broadcast_in_dim3A_116, %select_n3A_112 : vector<16xi1>, vector<16xi32>
      %select_n3A_126 = arith.select %gt3A_121, %select_n3A_114, %select_n3A_125 : vector<16xi1>, vector<16xi32>
      %select_n3A_127 = arith.select %gt3A_121, %get3A_120, %select_n3A_113 : vector<16xi1>, vector<16xf32>
      %select_n3A_128 = arith.select %gt3A_121, %broadcast_in_dim3A_116, %select_n3A_114 : vector<16xi1>, vector<16xi32>
      %broadcast_in_dim3A_129 = arith.constant 6 : i32
      %broadcast_in_dim3A_130 = vector.broadcast %broadcast_in_dim3A_129 : i32 to vector<16xi32>
      %add3A_131 = arith.constant 768 : i32
      %add3A_132 = arith.addi %add3A_63, %add3A_131 : i32
      %get3A_133 = arith.index_cast %add3A_132 : i32 to index
      %get3A_134 = tpu.vector_load %arg5[%get3A_133] {strides = array<i32>} : memref<8192xf32, #tpu.memory_space<vmem>>, vector<16xf32>,
      %gt3A_135 = arith.cmpf ogt, %get3A_134, %select_n3A_127 : vector<16xf32>
      %gt3A_136 = arith.cmpf ogt, %get3A_134, %select_n3A_124 : vector<16xf32>
      %select_n3A_137 = arith.select %gt3A_136, %get3A_134, %select_n3A_124 : vector<16xi1>, vector<16xf32>
      %select_n3A_138 = arith.select %gt3A_135, %select_n3A_127, %select_n3A_137 : vector<16xi1>, vector<16xf32>
      %select_n3A_139 = arith.select %gt3A_136, %broadcast_in_dim3A_130, %select_n3A_126 : vector<16xi1>, vector<16xi32>
      %select_n3A_140 = arith.select %gt3A_135, %select_n3A_128, %select_n3A_139 : vector<16xi1>, vector<16xi32>
      %select_n3A_141 = arith.select %gt3A_135, %get3A_134, %select_n3A_127 : vector<16xi1>, vector<16xf32>
      %select_n3A_142 = arith.select %gt3A_135, %broadcast_in_dim3A_130, %select_n3A_128 : vector<16xi1>, vector<16xi32>
      %broadcast_in_dim3A_143 = arith.constant 7 : i32
      %broadcast_in_dim3A_144 = vector.broadcast %broadcast_in_dim3A_143 : i32 to vector<16xi32>
      %add3A_145 = arith.constant 896 : i32
      %add3A_146 = arith.addi %add3A_63, %add3A_145 : i32
      %get3A_147 = arith.index_cast %add3A_146 : i32 to index
      %get3A_148 = tpu.vector_load %arg5[%get3A_147] {strides = array<i32>} : memref<8192xf32, #tpu.memory_space<vmem>>, vector<16xf32>,
      %gt3A_149 = arith.cmpf ogt, %get3A_148, %select_n3A_141 : vector<16xf32>
      %gt3A_150 = arith.cmpf ogt, %get3A_148, %select_n3A_138 : vector<16xf32>
      %select_n3A_151 = arith.select %gt3A_150, %get3A_148, %select_n3A_138 : vector<16xi1>, vector<16xf32>
      %select_n3A_152 = arith.select %gt3A_149, %select_n3A_141, %select_n3A_151 : vector<16xi1>, vector<16xf32>
      %select_n3A_153 = arith.select %gt3A_150, %broadcast_in_dim3A_144, %select_n3A_140 : vector<16xi1>, vector<16xi32>
      %select_n3A_154 = arith.select %gt3A_149, %select_n3A_142, %select_n3A_153 : vector<16xi1>, vector<16xi32>
      %select_n3A_155 = arith.select %gt3A_149, %get3A_148, %select_n3A_141 : vector<16xi1>, vector<16xf32>
      %select_n3A_156 = arith.select %gt3A_149, %broadcast_in_dim3A_144, %select_n3A_142 : vector<16xi1>, vector<16xi32>
      %sub3A_157 = arith.subf %select_n3A_152, %select_n3A_155 : vector<16xf32>
      %exp3A = math.exp %sub3A_157 : vector<16xf32>
      %add3A_158 = arith.constant 1.000000e+00 : f32
      %add3A_159 = vector.broadcast %add3A_158 : f32 to vector<16xf32>
      %add3A_160 = arith.addf %exp3A, %add3A_159 : vector<16xf32>
      %jit3A_161 = arith.constant 128 : i32
      %div3A_162 = arith.divsi %add3A_30, %jit3A_161 : i32
      %sign3A_163 = arith.constant 0 : i32
      %sign3A_164 = arith.cmpi sgt, %add3A_30, %sign3A_163 : i32
      %sign3A_165 = arith.extui %sign3A_164 : i1 to i32
      %sign3A_166 = arith.constant 0 : i32
      %sign3A_167 = arith.cmpi slt, %add3A_30, %sign3A_166 : i32
      %sign3A_168 = arith.extui %sign3A_167 : i1 to i32
      %sign3A_169 = arith.subi %sign3A_165, %sign3A_168 : i32
      %sign3A_170 = arith.constant 0 : i32
      %sign3A_171 = arith.cmpi sgt, %jit3A_161, %sign3A_170 : i32
      %sign3A_172 = arith.extui %sign3A_171 : i1 to i32
      %sign3A_173 = arith.constant 0 : i32
      %sign3A_174 = arith.cmpi slt, %jit3A_161, %sign3A_173 : i32
      %sign3A_175 = arith.extui %sign3A_174 : i1 to i32
      %sign3A_176 = arith.subi %sign3A_172, %sign3A_175 : i32
      %ne3A_177 = arith.cmpi ne, %sign3A_169, %sign3A_176 : i32
      %rem3A_178 = arith.remsi %add3A_30, %jit3A_161 : i32
      %ne3A_179 = arith.constant 0 : i32
      %ne3A_180 = arith.cmpi ne, %rem3A_178, %ne3A_179 : i32
      %and3A_181 = arith.andi %ne3A_177, %ne3A_180 : i1
      %sub3A_182 = arith.constant 1 : i32
      %sub3A_183 = arith.subi %div3A_162, %sub3A_182 : i32
      %select_n3A_184 = arith.select %and3A_181, %sub3A_183, %div3A_162 : i32
      %mul3A_185 = arith.constant 256 : i32
      %mul3A_186 = arith.muli %select_n3A_184, %mul3A_185 : i32
      %jit3A_187 = arith.constant 128 : i32
      %eq3A_188 = arith.constant 0 : i32
      %eq3A_189 = arith.cmpi eq, %jit3A_187, %eq3A_188 : i32
      %jit3A_190 = arith.constant 1 : i32
      %select_n3A_191 = arith.select %eq3A_189, %jit3A_190, %jit3A_187 : i32
      %rem3A_192 = arith.remsi %add3A_30, %select_n3A_191 : i32
      %ne3A_193 = arith.constant 0 : i32
      %ne3A_194 = arith.cmpi ne, %rem3A_192, %ne3A_193 : i32
      %lt3A_195 = arith.constant 0 : i32
      %lt3A_196 = arith.cmpi slt, %rem3A_192, %lt3A_195 : i32
      %lt3A_197 = arith.constant 0 : i32
      %lt3A_198 = arith.cmpi slt, %select_n3A_191, %lt3A_197 : i32
      %ne3A_199 = arith.xori %lt3A_196, %lt3A_198 : i1
      %and3A_200 = arith.andi %ne3A_199, %ne3A_194 : i1
      %add3A_201 = arith.addi %rem3A_192, %select_n3A_191 : i32
      %select_n3A_202 = arith.select %and3A_200, %add3A_201, %rem3A_192 : i32
      %add3A_203 = arith.addi %mul3A_186, %select_n3A_202 : i32
      %div3A_204 = arith.constant 1.000000e+00 : f32
      %div3A_205 = vector.broadcast %div3A_204 : f32 to vector<16xf32>
      %div3A_206 = arith.divf %div3A_205, %add3A_160 : vector<16xf32>
      %swap3A = arith.index_cast %add3A_203 : i32 to index
      %swap3A_207 = tpu.vector_load %arg6[%swap3A] {strides = array<i32>} : memref<2048xf32, #tpu.memory_space<vmem>>, vector<16xf32>,
      tpu.vector_store %arg6[%swap3A], %div3A_206 {strides = array<i32>} : memref<2048xf32, #tpu.memory_space<vmem>>, vector<16xf32>,
      %div3A_208 = arith.divf %exp3A, %add3A_160 : vector<16xf32>
      %add3A_209 = arith.constant 128 : i32
      %add3A_210 = arith.addi %add3A_203, %add3A_209 : i32
      %swap3A_211 = arith.index_cast %add3A_210 : i32 to index
      %swap3A_212 = tpu.vector_load %arg6[%swap3A_211] {strides = array<i32>} : memref<2048xf32, #tpu.memory_space<vmem>>, vector<16xf32>,
      tpu.vector_store %arg6[%swap3A_211], %div3A_208 {strides = array<i32>} : memref<2048xf32, #tpu.memory_space<vmem>>, vector<16xf32>,
      %swap3A_213 = arith.index_cast %add3A_203 : i32 to index
      %swap3A_214 = tpu.vector_load %arg7[%swap3A_213] {strides = array<i32>} : memref<2048xi32, #tpu.memory_space<vmem>>, vector<16xi32>,
      tpu.vector_store %arg7[%swap3A_213], %select_n3A_156 {strides = array<i32>} : memref<2048xi32, #tpu.memory_space<vmem>>, vector<16xi32>,
      %add3A_215 = arith.constant 128 : i32
      %add3A_216 = arith.addi %add3A_203, %add3A_215 : i32
      %swap3A_217 = arith.index_cast %add3A_216 : i32 to index
      %swap3A_218 = tpu.vector_load %arg7[%swap3A_217] {strides = array<i32>} : memref<2048xi32, #tpu.memory_space<vmem>>, vector<16xi32>,
      tpu.vector_store %arg7[%swap3A_217], %select_n3A_154 {strides = array<i32>} : memref<2048xi32, #tpu.memory_space<vmem>>, vector<16xi32>,
    }
    %scan3A_13 = arith.constant 64 : i32
    %mul3A_14 = arith.constant 2 : i32
    %mul3A_15 = arith.muli %mul3A_2, %mul3A_14 : i32
    %dma_start3A_16 = tpu.memref_slice %arg3[%mul3A_15] : memref<65536xf32, #tpu.memory_space<hbm>> -> memref<2048xf32, #tpu.memory_space<hbm>>
    %dma_start3A_17 = tpu.memref_slice %arg3[%mul3A_15] : memref<65536xf32, #tpu.memory_space<hbm>> -> memref<2048xf32, #tpu.memory_space<hbm>>
    tpu.enqueue_dma source(%arg6 : memref<2048xf32, #tpu.memory_space<vmem>>) target(%dma_start3A_17 : memref<2048xf32, #tpu.memory_space<hbm>>) target_semaphore(%arg8 : memref<!tpu.dma_semaphore, #tpu.memory_space<semaphore_mem>>)
    %mul3A_18 = arith.constant 2 : i32
    %mul3A_19 = arith.muli %mul3A_2, %mul3A_18 : i32
    %dma_start3A_20 = tpu.memref_slice %arg4[%mul3A_19] : memref<65536xi32, #tpu.memory_space<hbm>> -> memref<2048xi32, #tpu.memory_space<hbm>>
    %dma_start3A_21 = tpu.memref_slice %arg4[%mul3A_19] : memref<65536xi32, #tpu.memory_space<hbm>> -> memref<2048xi32, #tpu.memory_space<hbm>>
    tpu.enqueue_dma source(%arg7 : memref<2048xi32, #tpu.memory_space<vmem>>) target(%dma_start3A_21 : memref<2048xi32, #tpu.memory_space<hbm>>) target_semaphore(%arg8 : memref<!tpu.dma_semaphore, #tpu.memory_space<semaphore_mem>>)
    %dma_wait3A_22 = tpu.memref_slice %arg3[%mul3A_15] : memref<65536xf32, #tpu.memory_space<hbm>> -> memref<2048xf32, #tpu.memory_space<hbm>>
    %dma_wait3A_23 = tpu.memref_slice %arg3[%mul3A_15] : memref<65536xf32, #tpu.memory_space<hbm>> -> memref<2048xf32, #tpu.memory_space<hbm>>
    tpu.wait_dma2 semaphore(%arg8 : memref<!tpu.dma_semaphore, #tpu.memory_space<semaphore_mem>>) src(%arg6 : memref<2048xf32, #tpu.memory_space<vmem>>) dst(%dma_wait3A_23 : memref<2048xf32, #tpu.memory_space<hbm>>)
    %dma_wait3A_24 = tpu.memref_slice %arg4[%mul3A_19] : memref<65536xi32, #tpu.memory_space<hbm>> -> memref<2048xi32, #tpu.memory_space<hbm>>
    %dma_wait3A_25 = tpu.memref_slice %arg4[%mul3A_19] : memref<65536xi32, #tpu.memory_space<hbm>> -> memref<2048xi32, #tpu.memory_space<hbm>>
    tpu.wait_dma2 semaphore(%arg8 : memref<!tpu.dma_semaphore, #tpu.memory_space<semaphore_mem>>) src(%arg7 : memref<2048xi32, #tpu.memory_space<vmem>>) dst(%dma_wait3A_25 : memref<2048xi32, #tpu.memory_space<hbm>>)
    return
  }
}

module attributes {stable_mosaic.version = 14 : i64} {
  func.func @_logits_body(%arg0: i32, %arg1: memref<8x768xf32, #tpu.memory_space<vmem>>, %arg2: memref<4096x768xf32, #tpu.memory_space<vmem>>, %arg3: memref<8x4096xf32, #tpu.memory_space<vmem>>, %arg4: memref<32768xf32, #tpu.memory_space<vmem>>) attributes {dimension_semantics = [#tpu.dimension_semantics<arbitrary>], iteration_bounds = array<i64: 8>, scalar_prefetch = 0 : i64, scratch_operands = 0 : i64, tpu.core_type = #tpu.core_type<tc>, window_params = [{pipeline_mode = #tpu.pipeline_mode<synchronous>, transform_indices = @transform_0, window_bounds = array<i64: 8, 768>}, {transform_indices = @transform_1, window_bounds = array<i64: 4096, 768>}, {transform_indices = @transform_2, window_bounds = array<i64: 8, 4096>}, {transform_indices = @transform_3, window_bounds = array<i64: 32768>}]} {
    %get3A = arith.constant 0 : index
    %get3A_0 = arith.constant 0 : index
    %get3A_1 = vector.load %arg1[%get3A, %get3A_0] : memref<8x768xf32, #tpu.memory_space<vmem>>, vector<8x768xf32>
    %get3A_2 = arith.constant 0 : index
    %get3A_3 = arith.constant 0 : index
    %get3A_4 = vector.load %arg2[%get3A_2, %get3A_3] : memref<4096x768xf32, #tpu.memory_space<vmem>>, vector<4096x768xf32>
    %dot_general3A = arith.constant dense<0.000000e+00> : vector<8x4096xf32>
    %dot_general3A_5 = tpu.matmul %get3A_1, %get3A_4, %dot_general3A {dimension_numbers = #tpu.dot_dimension_numbers<[1], [1], [0], [0], [0, 0, 1, 0], [], []>, transpose_lhs_hint = false} : vector<8x768xf32>, vector<4096x768xf32>, vector<8x4096xf32> -> vector<8x4096xf32>
    %swap3A = arith.constant 0 : index
    %swap3A_6 = arith.constant 0 : index
    %swap3A_7 = vector.load %arg3[%swap3A, %swap3A_6] : memref<8x4096xf32, #tpu.memory_space<vmem>>, vector<8x4096xf32>
    tpu.vector_store %arg3[%swap3A, %swap3A_6], %dot_general3A_5 {strides = array<i32>} : memref<8x4096xf32, #tpu.memory_space<vmem>>, vector<8x4096xf32>,
    %slice3A = vector.extract_strided_slice %dot_general3A_5 {offsets = [0, 0], sizes = [8, 128], strides = [1, 1]} : vector<8x4096xf32> to vector<8x128xf32>
    %reshape3A = vector.shape_cast %slice3A : vector<8x128xf32> to vector<1024xf32>
    %slice3A_8 = vector.extract_strided_slice %dot_general3A_5 {offsets = [0, 128], sizes = [8, 128], strides = [1, 1]} : vector<8x4096xf32> to vector<8x128xf32>
    %reshape3A_9 = vector.shape_cast %slice3A_8 : vector<8x128xf32> to vector<1024xf32>
    %slice3A_10 = vector.extract_strided_slice %dot_general3A_5 {offsets = [0, 256], sizes = [8, 128], strides = [1, 1]} : vector<8x4096xf32> to vector<8x128xf32>
    %reshape3A_11 = vector.shape_cast %slice3A_10 : vector<8x128xf32> to vector<1024xf32>
    %slice3A_12 = vector.extract_strided_slice %dot_general3A_5 {offsets = [0, 384], sizes = [8, 128], strides = [1, 1]} : vector<8x4096xf32> to vector<8x128xf32>
    %reshape3A_13 = vector.shape_cast %slice3A_12 : vector<8x128xf32> to vector<1024xf32>
    %slice3A_14 = vector.extract_strided_slice %dot_general3A_5 {offsets = [0, 512], sizes = [8, 128], strides = [1, 1]} : vector<8x4096xf32> to vector<8x128xf32>
    %reshape3A_15 = vector.shape_cast %slice3A_14 : vector<8x128xf32> to vector<1024xf32>
    %slice3A_16 = vector.extract_strided_slice %dot_general3A_5 {offsets = [0, 640], sizes = [8, 128], strides = [1, 1]} : vector<8x4096xf32> to vector<8x128xf32>
    %reshape3A_17 = vector.shape_cast %slice3A_16 : vector<8x128xf32> to vector<1024xf32>
    %slice3A_18 = vector.extract_strided_slice %dot_general3A_5 {offsets = [0, 768], sizes = [8, 128], strides = [1, 1]} : vector<8x4096xf32> to vector<8x128xf32>
    %reshape3A_19 = vector.shape_cast %slice3A_18 : vector<8x128xf32> to vector<1024xf32>
    %slice3A_20 = vector.extract_strided_slice %dot_general3A_5 {offsets = [0, 896], sizes = [8, 128], strides = [1, 1]} : vector<8x4096xf32> to vector<8x128xf32>
    %reshape3A_21 = vector.shape_cast %slice3A_20 : vector<8x128xf32> to vector<1024xf32>
    %slice3A_22 = vector.extract_strided_slice %dot_general3A_5 {offsets = [0, 1024], sizes = [8, 128], strides = [1, 1]} : vector<8x4096xf32> to vector<8x128xf32>
    %reshape3A_23 = vector.shape_cast %slice3A_22 : vector<8x128xf32> to vector<1024xf32>
    %slice3A_24 = vector.extract_strided_slice %dot_general3A_5 {offsets = [0, 1152], sizes = [8, 128], strides = [1, 1]} : vector<8x4096xf32> to vector<8x128xf32>
    %reshape3A_25 = vector.shape_cast %slice3A_24 : vector<8x128xf32> to vector<1024xf32>
    %slice3A_26 = vector.extract_strided_slice %dot_general3A_5 {offsets = [0, 1280], sizes = [8, 128], strides = [1, 1]} : vector<8x4096xf32> to vector<8x128xf32>
    %reshape3A_27 = vector.shape_cast %slice3A_26 : vector<8x128xf32> to vector<1024xf32>
    %slice3A_28 = vector.extract_strided_slice %dot_general3A_5 {offsets = [0, 1408], sizes = [8, 128], strides = [1, 1]} : vector<8x4096xf32> to vector<8x128xf32>
    %reshape3A_29 = vector.shape_cast %slice3A_28 : vector<8x128xf32> to vector<1024xf32>
    %slice3A_30 = vector.extract_strided_slice %dot_general3A_5 {offsets = [0, 1536], sizes = [8, 128], strides = [1, 1]} : vector<8x4096xf32> to vector<8x128xf32>
    %reshape3A_31 = vector.shape_cast %slice3A_30 : vector<8x128xf32> to vector<1024xf32>
    %slice3A_32 = vector.extract_strided_slice %dot_general3A_5 {offsets = [0, 1664], sizes = [8, 128], strides = [1, 1]} : vector<8x4096xf32> to vector<8x128xf32>
    %reshape3A_33 = vector.shape_cast %slice3A_32 : vector<8x128xf32> to vector<1024xf32>
    %slice3A_34 = vector.extract_strided_slice %dot_general3A_5 {offsets = [0, 1792], sizes = [8, 128], strides = [1, 1]} : vector<8x4096xf32> to vector<8x128xf32>
    %reshape3A_35 = vector.shape_cast %slice3A_34 : vector<8x128xf32> to vector<1024xf32>
    %slice3A_36 = vector.extract_strided_slice %dot_general3A_5 {offsets = [0, 1920], sizes = [8, 128], strides = [1, 1]} : vector<8x4096xf32> to vector<8x128xf32>
    %reshape3A_37 = vector.shape_cast %slice3A_36 : vector<8x128xf32> to vector<1024xf32>
    %slice3A_38 = vector.extract_strided_slice %dot_general3A_5 {offsets = [0, 2048], sizes = [8, 128], strides = [1, 1]} : vector<8x4096xf32> to vector<8x128xf32>
    %reshape3A_39 = vector.shape_cast %slice3A_38 : vector<8x128xf32> to vector<1024xf32>
    %slice3A_40 = vector.extract_strided_slice %dot_general3A_5 {offsets = [0, 2176], sizes = [8, 128], strides = [1, 1]} : vector<8x4096xf32> to vector<8x128xf32>
    %reshape3A_41 = vector.shape_cast %slice3A_40 : vector<8x128xf32> to vector<1024xf32>
    %slice3A_42 = vector.extract_strided_slice %dot_general3A_5 {offsets = [0, 2304], sizes = [8, 128], strides = [1, 1]} : vector<8x4096xf32> to vector<8x128xf32>
    %reshape3A_43 = vector.shape_cast %slice3A_42 : vector<8x128xf32> to vector<1024xf32>
    %slice3A_44 = vector.extract_strided_slice %dot_general3A_5 {offsets = [0, 2432], sizes = [8, 128], strides = [1, 1]} : vector<8x4096xf32> to vector<8x128xf32>
    %reshape3A_45 = vector.shape_cast %slice3A_44 : vector<8x128xf32> to vector<1024xf32>
    %slice3A_46 = vector.extract_strided_slice %dot_general3A_5 {offsets = [0, 2560], sizes = [8, 128], strides = [1, 1]} : vector<8x4096xf32> to vector<8x128xf32>
    %reshape3A_47 = vector.shape_cast %slice3A_46 : vector<8x128xf32> to vector<1024xf32>
    %slice3A_48 = vector.extract_strided_slice %dot_general3A_5 {offsets = [0, 2688], sizes = [8, 128], strides = [1, 1]} : vector<8x4096xf32> to vector<8x128xf32>
    %reshape3A_49 = vector.shape_cast %slice3A_48 : vector<8x128xf32> to vector<1024xf32>
    %slice3A_50 = vector.extract_strided_slice %dot_general3A_5 {offsets = [0, 2816], sizes = [8, 128], strides = [1, 1]} : vector<8x4096xf32> to vector<8x128xf32>
    %reshape3A_51 = vector.shape_cast %slice3A_50 : vector<8x128xf32> to vector<1024xf32>
    %slice3A_52 = vector.extract_strided_slice %dot_general3A_5 {offsets = [0, 2944], sizes = [8, 128], strides = [1, 1]} : vector<8x4096xf32> to vector<8x128xf32>
    %reshape3A_53 = vector.shape_cast %slice3A_52 : vector<8x128xf32> to vector<1024xf32>
    %slice3A_54 = vector.extract_strided_slice %dot_general3A_5 {offsets = [0, 3072], sizes = [8, 128], strides = [1, 1]} : vector<8x4096xf32> to vector<8x128xf32>
    %reshape3A_55 = vector.shape_cast %slice3A_54 : vector<8x128xf32> to vector<1024xf32>
    %slice3A_56 = vector.extract_strided_slice %dot_general3A_5 {offsets = [0, 3200], sizes = [8, 128], strides = [1, 1]} : vector<8x4096xf32> to vector<8x128xf32>
    %reshape3A_57 = vector.shape_cast %slice3A_56 : vector<8x128xf32> to vector<1024xf32>
    %slice3A_58 = vector.extract_strided_slice %dot_general3A_5 {offsets = [0, 3328], sizes = [8, 128], strides = [1, 1]} : vector<8x4096xf32> to vector<8x128xf32>
    %reshape3A_59 = vector.shape_cast %slice3A_58 : vector<8x128xf32> to vector<1024xf32>
    %slice3A_60 = vector.extract_strided_slice %dot_general3A_5 {offsets = [0, 3456], sizes = [8, 128], strides = [1, 1]} : vector<8x4096xf32> to vector<8x128xf32>
    %reshape3A_61 = vector.shape_cast %slice3A_60 : vector<8x128xf32> to vector<1024xf32>
    %slice3A_62 = vector.extract_strided_slice %dot_general3A_5 {offsets = [0, 3584], sizes = [8, 128], strides = [1, 1]} : vector<8x4096xf32> to vector<8x128xf32>
    %reshape3A_63 = vector.shape_cast %slice3A_62 : vector<8x128xf32> to vector<1024xf32>
    %slice3A_64 = vector.extract_strided_slice %dot_general3A_5 {offsets = [0, 3712], sizes = [8, 128], strides = [1, 1]} : vector<8x4096xf32> to vector<8x128xf32>
    %reshape3A_65 = vector.shape_cast %slice3A_64 : vector<8x128xf32> to vector<1024xf32>
    %slice3A_66 = vector.extract_strided_slice %dot_general3A_5 {offsets = [0, 3840], sizes = [8, 128], strides = [1, 1]} : vector<8x4096xf32> to vector<8x128xf32>
    %reshape3A_67 = vector.shape_cast %slice3A_66 : vector<8x128xf32> to vector<1024xf32>
    %slice3A_68 = vector.extract_strided_slice %dot_general3A_5 {offsets = [0, 3968], sizes = [8, 128], strides = [1, 1]} : vector<8x4096xf32> to vector<8x128xf32>
    %reshape3A_69 = vector.shape_cast %slice3A_68 : vector<8x128xf32> to vector<1024xf32>
    %concatenate3A = tpu.concatenate %reshape3A, %reshape3A_9, %reshape3A_11, %reshape3A_13, %reshape3A_15, %reshape3A_17, %reshape3A_19, %reshape3A_21, %reshape3A_23, %reshape3A_25, %reshape3A_27, %reshape3A_29, %reshape3A_31, %reshape3A_33, %reshape3A_35, %reshape3A_37, %reshape3A_39, %reshape3A_41, %reshape3A_43, %reshape3A_45, %reshape3A_47, %reshape3A_49, %reshape3A_51, %reshape3A_53, %reshape3A_55, %reshape3A_57, %reshape3A_59, %reshape3A_61, %reshape3A_63, %reshape3A_65, %reshape3A_67, %reshape3A_69 in 0 : vector<1024xf32>, vector<1024xf32>, vector<1024xf32>, vector<1024xf32>, vector<1024xf32>, vector<1024xf32>, vector<1024xf32>, vector<1024xf32>, vector<1024xf32>, vector<1024xf32>, vector<1024xf32>, vector<1024xf32>, vector<1024xf32>, vector<1024xf32>, vector<1024xf32>, vector<1024xf32>, vector<1024xf32>, vector<1024xf32>, vector<1024xf32>, vector<1024xf32>, vector<1024xf32>, vector<1024xf32>, vector<1024xf32>, vector<1024xf32>, vector<1024xf32>, vector<1024xf32>, vector<1024xf32>, vector<1024xf32>, vector<1024xf32>, vector<1024xf32>, vector<1024xf32>, vector<1024xf32> -> vector<32768xf32>
    %swap3A_70 = arith.constant 0 : index
    %swap3A_71 = vector.load %arg4[%swap3A_70] : memref<32768xf32, #tpu.memory_space<vmem>>, vector<32768xf32>
    tpu.vector_store %arg4[%swap3A_70], %concatenate3A {strides = array<i32>} : memref<32768xf32, #tpu.memory_space<vmem>>, vector<32768xf32>,
    return
  }
  func.func @transform_0(%arg0: i32) -> (i32, i32) {
    %c0_i32 = arith.constant 0 : i32
    %c0_i32_0 = arith.constant 0 : i32
    %c0_i32_1 = arith.constant 0 : i32
    return %c0_i32, %c0_i32_0 : i32, i32
  }
  func.func @transform_1(%arg0: i32) -> (i32, i32) {
    %c0_i32 = arith.constant 0 : i32
    %c0_i32_0 = arith.constant 0 : i32
    return %arg0, %c0_i32 : i32, i32
  }
  func.func @transform_2(%arg0: i32) -> (i32, i32) {
    %c0_i32 = arith.constant 0 : i32
    %c0_i32_0 = arith.constant 0 : i32
    return %c0_i32, %arg0 : i32, i32
  }
  func.func @transform_3(%arg0: i32) -> i32 {
    %c0_i32 = arith.constant 0 : i32
    return %arg0 : i32
  }
}

</mosaic_0001>

<sc_bundles>
// kernel: kernel.4.cloned.1.call-start
scs
__scs_entry_jumppad:
0x0: {  	(pc) =	sbr.rel $0x88, $3  }
0x1: {  	(tag) =	ssettag $0x0;
	lr =	simm.s32 $0x1  }
0x2: {  	[smem:$0x3F9F] =	sst lr;
	_ =	strace $0xD0000000  }
0x3: {  	_ = 	snop  }
0x4: {  	_ = 	snop  }
0x5: {  	_ = 	snop  }
0x6: {  	_ = 	snop  }
0x7: {  	_ = 	snop  }
__scs_overlays_trampoline_lowered:
0x8: {  	[smem:$0x3FAE] =	sst s0  }
0x9: {  	[smem:$0x3FAF] =	sst s1  }
0xa: {  	[smem:$0x3FB0] =	sst s2  }
0xb: {  	[smem:$0x3FB1] =	sst s3  }
0xc: {  	[smem:$0x3FB2] =	sst s4  }
0xd: {  	[smem:$0x3FB3] =	sst s5  }
0xe: {  	[smem:$0x3FB4] =	sst s6  }
0xf: {  	[smem:$0x3FB5] =	sst s7  }
0x10: {  	[smem:$0x3FB6] =	sst s8  }
0x11: {  	[smem:$0x3FB7] =	sst s9;
	s0 =	simm.s32 @!p0 $0x0  }
0x12: {  	s1 =	sld [smem:$0x3F9D];
	s0 =	simm.s32 @p0 $0x1  }
0x13: {  	[smem:$0x3FB8] =	sst s0;
	s0 =	simm.s32 @!p1 $0x0  }
0x14: {  	s2 =	sld [smem:$0x3F9C];
	s0 =	simm.s32 @p1 $0x1  }
0x15: {  	[smem:$0x3FB9] =	sst s0;
	s0 =	simm.s32 @!p2 $0x0  }
0x16: {  	s3 =	sld [smem:$0x3FDB];
	s0 =	simm.s32 @p2 $0x1  }
0x17: {  	s4 =	simm.s32 $0x1BF5;
	[smem:$0x3FBB] =	sst s0  }
0x18: {  	s0 =	sld [smem:$0x3F9E];
	_ =	swait.ge [sflag:s4], $0x0  }
0x19: {  	s7 =	sld [smem:$0x3F9F]  }
0x1a: {  	s8 =	sadd.s32 $0xFFFFE003, lr  }
0x1b: {  	s9 =	sadd.s32 $0xFFFFFEF7, lr;
	s5 =	simm.s32 $0xFFFFFFFF;
	p2 =	slt.u32 s8, $0xFFFFF086  }
0x1c: {  	p1 =	slt.u32 s9, $0xF7A;
	s5 =	simm.s32 @!p2 $0x0  }
0x1d: {  	s5 =	simm.s32 @p1 $0x1;
	p0 =	seq.s32 s7, s2  }
0x1e: {  	s7 =	smul.u32 @!p0 $0xF7A, s2;
	p2 =	seq.s32 @!p0 s5, $0x0  }
0x1f: {  	s9 =	smul.u32 $0xF7A, s1;
	s8 =	simm.s32 @!p0 $0x1BF5;
	p2 =	por !p2, p0  }
0x20: {  	[sflag:s8] =	ssyncset.s32 @!p0 $0xFFFFF086;
	s6 =	sadd.s32 @!p0 s3, s7;
	s7 =	simm.s32 @!p0 $0x108  }
0x21: {  	s3 =	sadd.s32 s3, s9;
	s6 =	sadd.s32 @!p0 $0x88, s6;
	s7 =	simm.s32 @p2 $0x1082  }
0x22: {  	[simem:s7], [sflag:s8] =	dma.local @!p0 [hbm:s6], $0xF7A  }
0x23: {  	s9 =	sor.u32 $0xD0000000, s2;
	s6 =	simm.s32 $0x108;
	_ =	swait.ge @!p0 [sflag:s8], $0x0  }
0x24: {  	s3 =	sadd.s32 $0x88, s3;
	s6 =	simm.s32 @!p1 $0x1082;
	[sflag:s4] =	ssyncset.s32 $0xFFFFF086  }
0x25: {  	[simem:s6], [sflag:s4] =	dma.local [hbm:s3], $0xF7A  }
0x26: {  	[smem:$0x3F9F] =	sst s1;
	(tag) =	ssettag s2;
	_ =	strace s9  }
0x27: {  	s1 =	sld [smem:$0x3FAF]  }
0x28: {  	s2 =	sld [smem:$0x3FB0]  }
0x29: {  	s4 =	sld [smem:$0x3FB2]  }
0x2a: {  	p0 =	seq.s32 s5, $0x0;
	s5 =	sld [smem:$0x3FB3]  }
0x2b: {  	s6 =	sld [smem:$0x3FB4]  }
0x2c: {  	s7 =	sld [smem:$0x3FB5]  }
0x2d: {  	s3 =	simm.s32 $0x108;
	s8 =	sld [smem:$0x3FB6]  }
0x2e: {  	s3 =	simm.s32 @!p0 $0x1082;
	s9 =	sld [smem:$0x3FB7]  }
0x2f: {  	lr =	sadd.s32 s0, s3;
	s0 =	sld [smem:$0x3FAE]  }
0x30: {  	s3 =	sld [smem:$0x3FB1]  }
0x31: {  	[smem:$0x3FBA] =	sst s10  }
0x32: {  	s10 =	sld [smem:$0x3FB8];
	_ =	sdelay $0x3  }
0x33: {  	p0 =	seq.s32 s10, $0x1;
	s10 =	sld [smem:$0x3FBA];
	_ =	sdelay $0x3  }
0x34: {  	[smem:$0x3FBA] =	sst s10  }
0x35: {  	s10 =	sld [smem:$0x3FB9];
	_ =	sdelay $0x3  }
0x36: {  	p1 =	seq.s32 s10, $0x1;
	s10 =	sld [smem:$0x3FBA];
	_ =	sdelay $0x3  }
0x37: {  	[smem:$0x3FBA] =	sst s10  }
0x38: {  	s10 =	sld [smem:$0x3FBB]  }
0x39: {  	_ = 	snop;
	(pc) =	sbr.ind lr, $3  }
0x3a: {  	_ = 	snop  }
0x3b: {  	_ = 	snop  }
0x3c: {  	p2 =	seq.s32 s10, $0x1;
	s10 =	sld [smem:$0x3FBA]  }
0x3d: {  	_ =	shalt  }
0x3e: {  	_ =	shalt  }
0x3f: {  	_ =	shalt  }
0x40: {  	_ =	shalt  }
0x41: {  	_ =	shalt  }
0x42: {  	_ =	shalt  }
0x43: {  	_ =	shalt  }
0x44: {  	_ =	shalt  }
0x45: {  	_ =	shalt  }
0x46: {  	_ =	shalt  }
0x47: {  	_ =	shalt  }
0x48: {  	_ =	shalt  }
0x49: {  	_ =	shalt  }
0x4a: {  	_ =	shalt  }
0x4b: {  	_ =	shalt  }
0x4c: {  	_ =	shalt  }
0x4d: {  	_ =	shalt  }
0x4e: {  	_ =	shalt  }
0x4f: {  	_ =	shalt  }
0x50: {  	_ =	shalt  }
0x51: {  	_ =	shalt  }
0x52: {  	_ =	shalt  }
0x53: {  	_ =	shalt  }
0x54: {  	_ =	shalt  }
0x55: {  	_ =	shalt  }
0x56: {  	_ =	shalt  }
0x57: {  	_ =	shalt  }
0x58: {  	_ =	shalt  }
0x59: {  	_ =	shalt  }
0x5a: {  	_ =	shalt  }
0x5b: {  	_ =	shalt  }
0x5c: {  	_ =	shalt  }
0x5d: {  	_ =	shalt  }
0x5e: {  	_ =	shalt  }
0x5f: {  	_ =	shalt  }
0x60: {  	_ =	shalt  }
0x61: {  	_ =	shalt  }
0x62: {  	_ =	shalt  }
0x63: {  	_ =	shalt  }
0x64: {  	_ =	shalt  }
0x65: {  	_ =	shalt  }
0x66: {  	_ =	shalt  }
0x67: {  	_ =	shalt  }
0x68: {  	_ =	shalt  }
0x69: {  	_ =	shalt  }
0x6a: {  	_ =	shalt  }
0x6b: {  	_ =	shalt  }
0x6c: {  	_ =	shalt  }
0x6d: {  	_ =	shalt  }
0x6e: {  	_ =	shalt  }
0x6f: {  	_ =	shalt  }
0x70: {  	_ =	shalt  }
0x71: {  	_ =	shalt  }
0x72: {  	_ =	shalt  }
0x73: {  	_ =	shalt  }
0x74: {  	_ =	shalt  }
0x75: {  	_ =	shalt  }
0x76: {  	_ =	shalt  }
0x77: {  	_ =	shalt  }
0x78: {  	_ =	shalt  }
0x79: {  	_ =	shalt  }
0x7a: {  	_ =	shalt  }
0x7b: {  	_ =	shalt  }
0x7c: {  	_ =	shalt  }
0x7d: {  	_ =	shalt  }
0x7e: {  	_ =	shalt  }
0x7f: {  	_ =	shalt  }
0x80: {  	_ =	shalt  }
0x81: {  	_ =	shalt  }
0x82: {  	_ =	shalt  }
0x83: {  	_ =	shalt  }
0x84: {  	_ =	shalt  }
0x85: {  	_ =	shalt  }
0x86: {  	_ =	shalt  }
0x87: {  	_ =	shalt  }
.Lfunc_end0:
.L_simem_size_0:
called_computation_lowered:
.L_overlay_start_0:
0x88: {  	s2 =	sld [smem:$0x3FD9]  }
0x89: {  	s3 =	sld [smem:$0x3FFE];
	_ =	sdelay $0x1  }
0x8a: {  	s1 =	srdreg.scid  }
0x8b: {  	s0 =	sand.u32 $0x1, s1  }
0x8c: {  	s14 =	sshll.u32 s0, $0xA;
	s2 =	sadd.s32 s3, s2  }
0x8d: {  	s2 =	sadd.s32 s2, s14  }
0x8e: {  	[smem:$0x3FC6] =	sst s2  }
0x8f: {  	_ = 	snop  }
0x90: {  	s2 =	sld [smem:$0x3FD0];
	_ =	sdelay $0x2  }
0x91: {  	s15 =	simm.s32 $0xA;
	s4 =	simm.s32 $0x10  }
0x92: {  	[smem:s4], [sflag:s15] =	dma.local [hbm:s2], $0x1  }
0x93: {  	_ =	swait.eq [sflag:s15], $0x1  }
0x94: {  	[sflag:s15] =	ssyncset.done $0x0  }
0x95: {  	s16 =	sld [smem:$0x11];
	[sflag:s15] =	ssyncadd.s32 $0xFFFFFFFF  }
0x96: {  	s17 =	sld [smem:$0x12];
	(tm) =	ssettm $0x1  }
0x97: {  	s18 =	sld [smem:$0x3FFB];
	_ =	sdelay $0x3  }
0x98: {  	_ =	strace s18  }
0x99: {  	s4 =	sld [smem:$0x3FFC];
	_ =	sdelay $0x3  }
0x9a: {  	_ =	strace s4  }
0x9b: {  	s4 =	sld [smem:$0x3FFD];
	_ =	sdelay $0x3  }
0x9c: {  	_ =	strace s4  }
0x9d: {  	_ =	strace $0x8FFFFFFF  }
0x9e: {  	s19 =	sld [smem:$0x3FDB];
	_ =	sdelay $0x1  }
0x9f: {  	s5 =	simm.s32 $_scs_section_size  }
0xa0: {  	s6 =	simm.s32 $_size__tile_overlayer_lowered;
	s7 =	simm.s32 $_tile_overlayer_lowered  }
0xa1: {  	s22 =	simm.s32 $0x1BFF;
	s21 =	sshll.u32 s7, $0x1;
	s4 =	sadd.s32 s5, s19  }
0xa2: {  	s8 =	simm.s32 $0x0;
	s20 =	sshll.u32 s6, $0x1;
	s6 =	sadd.s32 s21, s4  }
0xa3: {  	[timem:s8], [sflag:s22] =	dma.local [hbm:s6], s20  }
0xa4: {  	_ =	swait.ge [sflag:s22], s20  }
0xa5: {  	s5 =	ssub.s32 $0x0, s20;
	[sflag:s22] =	ssyncset.done $0x0  }
0xa6: {  	[sflag:s22] =	ssyncadd.s32 s5;
	_ =	sdelay $0x1  }
0xa7: {  	s23 =	simm.s32 $0x1B8B  }
0xa8: {  	_ =	swait.ge [sflag:s23], $0x1  }
0xa9: {  	[sflag:s23] =	ssyncset.done $0x0  }
0xaa: {  	s25 =	simm.s32 $0x1B8E;
	s24 =	sld [smem:$0x3FFE];
	[sflag:s23] =	ssyncadd.s32 $0xFFFFFFFF  }
0xab: {  	s26 =	simm.s32 $execute0_lowered;
	[smem:$0x3FD2] =	sst s25  }
0xac: {  	s6 =	sshll.u32 s26, $0x1;
	_ =	strace $0x80000046;
	[dreg:$0x1] =	wrdreg $0xFFFFFFFF  }
0xad: {  	s28 =	simm.s32 $_size_execute0_lowered;
	s4 =	sadd.s32 s4, s6;
	[dreg:$0x0] =	wrdreg $0x0  }
0xae: {  	s6 =	sshll.u32 s28, $0x1;
	[dreg:$0x2] =	wrdreg s4  }
0xaf: {  	[dreg:$0x3] =	wrdreg s6  }
0xb0: {  	[dreg:$0x4] =	wrdreg $0xC0  }
0xb1: {  	_ =	task [dreg:s8], $0x5FFFF  }
0xb2: {  	[dreg:$0x1] =	wrdreg $0xFFFFFFFF  }
0xb3: {  	[dreg:$0x0] =	wrdreg $0x60  }
0xb4: {  	[dreg:$0x2] =	wrdreg s24  }
0xb5: {  	[dreg:$0x3] =	wrdreg s16  }
0xb6: {  	[dreg:$0x4] =	wrdreg s17  }
0xb7: {  	[dreg:$0x5] =	wrdreg $0x9  }
0xb8: {  	_ =	task.clear_ibuf [dreg:s8], $0x6FFFF;
	_ =	strace $0x90000046  }
0xb9: {  	s29 =	simm.s32 $0x9;
	_ =	strace $0x80000048  }
0xba: {  	_ =	swait.ge [sflag:s29], $0x1  }
0xbb: {  	[sflag:s29] =	ssyncadd.s32 $0xFFFFFFFF  }
0xbc: {  	_ =	strace $0x90000048  }
0xbd: {  	_ =	sfence  }
0xbe: {  	s30 =	sld [smem:$0x0];
	_ =	sdelay $0x2  }
0xbf: {  	s31 =	sshll.u32 s1, $0xD;
	s1 =	sshrl.u32 s1, $0x2  }
0xc0: {  	s3 =	sand.u32 $0x4000, s31;
	s1 =	sadd.s32 s1, s30  }
0xc1: {  	s0 =	sor.u32 s3, s0;
	s1 =	sshll.u32 s1, $0x11  }
0xc2: {  	s0 =	sor.u32 s1, s0  }
0xc3: {  	s0 =	sadd.s32 $0x8F2B, s0  }
0xc4: {  	[sflag:s0] =	ssyncadd.remote.s32 $0x1  }
0xc5: {  	_ =	sfence.sel $0xFFFF  }
0xc6: {  	[dreg:$0x0] =	wrdreg $0xFFFFFFFF;
	(pc) =	sbr.abs _section_cstart, $3  }
0xc7: {  	[dreg:$0x1] =	wrdreg $0xFFFFFFFF  }
0xc8: {  	_ =	task.clear_ibuf [dreg:s8], $0x2FFFF;
	_ =	strace $0x9FFFFFFF  }
0xc9: {  	(tm) =	ssettm $0x7FFFFFFF  }
tec
execute0_lowered:
.L_overlay_start_1:
0x0: {  	(tag) =	ssettag $0x1  }
0x1: {  	s3 =	rddreg [dreg:$0x0]  }
0x2: {  	s4 =	rddreg [dreg:$0x1]  }
0x3: {  	s5 =	rddreg [dreg:$0x2]  }
0x4: {  	s1 =	srdreg.scid;
	s0 =	rddreg [dreg:$0x3]  }
0x5: {  	s2 =	simm.s32 $0x0;
	s9 =	simm.s32 $0x2800;
	s6 =	sand.u32 $0x1, s1  }
0x6: {  	s10 =	simm.s32 $0x0;
	s1 =	stileid.u32;
	s7 =	sshll.u32 s6, $0x4  }
0x7: {  	[smem:$0x7FF] =	sst s2;
	s6 =	ssub.s32 $0x2, s6;
	s7 =	sor.u32 s1, s7  }
0x8: {  	_ =	strace $0x80000047;
	s31 =	sshrl.u32 s6, $0x1;
	s8 =	sshll.u32 s7, $0xA  }
0x9: {  	s7 =	sshll.u32 s7, $0x8;
	s6 =	ssub.s32 s6, s31;
	s3 =	sadd.s32 s8, s3  }
0xa: {  	s4 =	sadd.s32 s4, s7;
	s5 =	sadd.s32 s5, s7;
	s6 =	smax.u32 s6, $0x1  }
0xb: {  	v0 =	vimm.s32 $0x0;
	s7 =	simm.s32 $0x1;
	s8 =	simm.s32 $0x2000;
	s3 =	sadd.s32 $0xE00, s3  }
.LBB2_1:
0xc: {  	[tilespmem:s2], [sflag:$0x1] =	stream.linear.gather [hbm4b:s3+s2], $0x2000, $0x38;
	[tilespmem:$0x3000] =	vst v63  }
0xd: {  	s12 =	simm.s32 $0x0;
	_ =	swait.ge [sflag:s7], $0x2000  }
0xe: {  	s11 =	sand.u32 $0x70, s2;
	s12 =	sand.u32 $0x3FFFFC00, s12;
	[sflag:s7] =	ssyncset.done $0x0  }
0xf: {  	s12 =	sor.u32 s11, s12;
	[sflag:s7] =	ssyncadd.s32 $0xFFFFE000  }
0x10: {  	v1 =	vld [tilespmem:s12+$0x0]  }
0x11: {  	v2 =	vld [tilespmem:s12+$0x80];
	_ =	sdelay $0x1  }
0x12: {  	v3 =	vld [tilespmem:s12+$0x100];
	_ =	sdelay $0x2  }
0x13: {  	v4 =	vld [tilespmem:s12+$0x180];
	vm1 =	vgt.f32 v2, v1  }
0x14: {  	v5 =	vsel vm1, v1, v2  }
0x15: {  	v1 =	vsel vm1, v2, v1;
	vm3 =	vgt.f32 v3, v5  }
0x16: {  	v2 =	vld [tilespmem:s12+$0x200];
	vm0 =	vgt.f32 v3, v1;
	v5 =	vsel vm3, v3, v5  }
0x17: {  	v5 =	vsel vm0, v1, v5  }
0x18: {  	v1 =	vsel vm0, v3, v1;
	vm4 =	vgt.f32 v4, v5  }
0x19: {  	v3 =	vld [tilespmem:s12+$0x280];
	vm2 =	vgt.f32 v4, v1;
	v5 =	vsel vm4, v4, v5  }
0x1a: {  	v5 =	vsel vm2, v1, v5  }
0x1b: {  	v1 =	vsel vm2, v4, v1;
	vm6 =	vgt.f32 v2, v5  }
0x1c: {  	v61 =	vld [tilespmem:s12+$0x300];
	vm5 =	vgt.f32 v2, v1;
	v5 =	vsel vm6, v2, v5  }
0x1d: {  	v5 =	vsel vm5, v1, v5  }
0x1e: {  	v1 =	vsel vm5, v2, v1;
	vm8 =	vgt.f32 v3, v5  }
0x1f: {  	v2 =	vld [tilespmem:s12+$0x380];
	vm7 =	vgt.f32 v3, v1;
	v5 =	vsel vm8, v3, v5  }
0x20: {  	v5 =	vsel vm7, v1, v5  }
0x21: {  	v1 =	vsel vm7, v3, v1;
	vm11 =	vgt.f32 v61, v5  }
0x22: {  	vm10 =	vgt.f32 v61, v1;
	v3 =	vsel vm11, v61, v5  }
0x23: {  	v3 =	vsel vm10, v1, v3  }
0x24: {  	v1 =	vsel vm10, v61, v1;
	vm12 =	vgt.f32 v2, v3  }
0x25: {  	vm9 =	vgt.f32 v2, v1;
	v3 =	vsel vm12, v2, v3  }
0x26: {  	v2 =	vsel vm9, v2, v1;
	v1 =	vsel vm9, v1, v3  }
0x27: {  	v1 =	vsub.f32 v1, v2;
	_ =	sdelay $0x1  }
0x28: {  	v1 =	vmul.f32 $1.442695020e+00, v1;
	_ =	sdelay $0x1  }
0x29: {  	(erf) = vpow2.f32 v1;
	_ =	sdelay $0x4  }
0x2a: {  	vm13 =	vmneg vm1  }
0x2b: {  	v1 =	vsel vm13, $0x1, v0  }
0x2c: {  	v2 =	vsel vm1, $0x1, v0;
	v1 =	vsel vm3, $0x2, v1  }
0x2d: {  	v1 =	vsel vm0, v2, v1  }
0x2e: {  	v2 =	vsel vm0, $0x2, v2;
	v1 =	vsel vm4, $0x3, v1;
	v3 =	vpop (erf)  }
0x2f: {  	v1 =	vsel vm2, v2, v1;
	v62 =	vadd.f32 $1.000000000e+00, v3  }
0x30: {  	v2 =	vsel vm2, $0x3, v2;
	v1 =	vsel vm6, $0x4, v1  }
0x31: {  	v1 =	vsel vm5, v2, v1;
	(erf) = vrcp.f32 v62  }
0x32: {  	v2 =	vsel vm5, $0x4, v2;
	v1 =	vsel vm8, $0x5, v1  }
0x33: {  	v1 =	vsel vm7, v2, v1  }
0x34: {  	v2 =	vsel vm7, $0x5, v2;
	v1 =	vsel vm11, $0x6, v1  }
0x35: {  	v1 =	vsel vm10, v2, v1  }
0x36: {  	s30 =	simm.s32 $0x0;
	v63 =	vsel vm10, $0x6, v2;
	v1 =	vsel vm12, $0x7, v1  }
0x37: {  	s12 =	sand.u32 $0xFFFFFF00, s30;
	v1 =	vsel vm9, v63, v1  }
0x38: {  	s17 =	sor.u32 s11, s12;
	v2 =	vsel vm9, $0x7, v63  }
0x39: {  	[tilespmem:s17+$0x2800] =	vst v2  }
0x3a: {  	s31 =	simm.s32 $0x10;
	s18 =	simm.s32 $0x2;
	s16 =	simm.s32 $0x80;
	[tilespmem:s17+$0x2880] =	vst v1;
	v1 =	vpop (erf)  }
0x3b: {  	s13 =	simm.s32 $0x20;
	s12 =	simm.s32 $0x1;
	s11 =	sand.u32 $0x70, s31;
	[tilespmem:s17+$0x2000] =	vst v1;
	v1 =	vmul.f32 v1, v3  }
.LBB2_2:
0x3c: {  	s15 =	sand.u32 $0x70, s13  }
0x3d: {  	s19 =	sand.u32 $0x3FFFFC00, s16;
	s16 =	smov.u32 s18;
	s14 =	sadd.s32 $0x1, s18  }
0x3e: {  	p0 =	sne.s32 s18, $0x3F;
	s18 =	sor.u32 s11, s19;
	[tilespmem:s17+$0x2080] =	vst v1  }
0x3f: {  	v1 =	vld [tilespmem:s18+$0x0]  }
0x40: {  	v2 =	vld [tilespmem:s18+$0x80]  }
0x41: {  	v3 =	vld [tilespmem:s18+$0x100];
	_ =	sdelay $0x2  }
0x42: {  	v4 =	vld [tilespmem:s18+$0x180]  }
0x43: {  	vm0 =	vgt.f32 v2, v1  }
0x44: {  	vm1 =	vmneg vm0;
	v5 =	vsel vm0, v2, v1;
	v1 =	vsel vm0, v1, v2  }
0x45: {  	v2 =	vsel vm1, $0x1, v0;
	vm1 =	vgt.f32 v3, v5;
	vm2 =	vgt.f32 v3, v1;
	v6 =	vld [tilespmem:s18+$0x200]  }
0x46: {  	v7 =	vsel vm0, $0x1, v0;
	v1 =	vsel vm2, v3, v1;
	v3 =	vsel vm1, v3, v5  }
0x47: {  	v2 =	vsel vm2, $0x2, v2;
	v1 =	vsel vm1, v5, v1;
	v5 =	vsel vm1, $0x2, v7  }
0x48: {  	v2 =	vsel vm1, v7, v2;
	vm0 =	vgt.f32 v4, v3;
	vm1 =	vgt.f32 v4, v1;
	v7 =	vld [tilespmem:s18+$0x280]  }
0x49: {  	v8 =	vsel vm0, $0x3, v5;
	v1 =	vsel vm1, v4, v1;
	v4 =	vsel vm0, v4, v3  }
0x4a: {  	v2 =	vsel vm1, $0x3, v2;
	v1 =	vsel vm0, v3, v1  }
0x4b: {  	v2 =	vsel vm0, v5, v2;
	vm0 =	vgt.f32 v6, v4;
	vm1 =	vgt.f32 v6, v1;
	v3 =	vld [tilespmem:s18+$0x300]  }
0x4c: {  	v5 =	vsel vm0, v6, v4;
	v1 =	vsel vm1, v6, v1;
	v6 =	vsel vm0, $0x4, v8  }
0x4d: {  	v2 =	vsel vm1, $0x4, v2;
	v1 =	vsel vm0, v4, v1  }
0x4e: {  	v2 =	vsel vm0, v8, v2;
	vm0 =	vgt.f32 v7, v5;
	vm1 =	vgt.f32 v7, v1;
	v4 =	vld [tilespmem:s18+$0x380]  }
0x4f: {  	v1 =	vsel vm1, v7, v1;
	v2 =	vsel vm1, $0x5, v2;
	v7 =	vsel vm0, v7, v5  }
0x50: {  	v1 =	vsel vm0, v5, v1;
	v2 =	vsel vm0, v6, v2  }
0x51: {  	vm1 =	vgt.f32 v3, v7;
	vm2 =	vgt.f32 v3, v1  }
0x52: {  	v1 =	vsel vm2, v3, v1;
	v3 =	vsel vm1, v3, v7  }
0x53: {  	v5 =	vsel vm0, $0x5, v6;
	v2 =	vsel vm2, $0x6, v2;
	v1 =	vsel vm1, v7, v1  }
0x54: {  	s17 =	sshll.u32 s12, $0x5;
	s12 =	smov.u32 s16;
	v6 =	vsel vm1, $0x6, v5;
	vm0 =	vgt.f32 v4, v3;
	vm2 =	vgt.f32 v4, v1  }
0x55: {  	s16 =	sand.u32 $0xFFFFFF00, s17;
	v2 =	vsel vm1, v5, v2;
	v1 =	vsel vm2, v4, v1;
	v4 =	vsel vm0, v4, v3  }
0x56: {  	s17 =	sor.u32 s11, s16;
	s11 =	smov.u32 s15;
	v2 =	vsel vm2, $0x7, v2;
	v1 =	vsel vm0, v3, v1;
	v3 =	vsel vm0, $0x7, v6  }
0x57: {  	v2 =	vsel vm0, v6, v2;
	v1 =	vsub.f32 v1, v4;
	[tilespmem:s17+$0x2800] =	vst v3  }
0x58: {  	[tilespmem:s17+$0x2880] =	vst v2  }
0x59: {  	v1 =	vmul.f32 $1.442695020e+00, v1;
	_ =	sdelay $0x1  }
0x5a: {  	(erf) = vpow2.f32 v1;
	_ =	sdelay $0x8  }
0x5b: {  	v1 =	vpop (erf)  }
0x5c: {  	v2 =	vadd.f32 $1.000000000e+00, v1;
	_ =	sdelay $0x1  }
0x5d: {  	(erf) = vrcp.f32 v2;
	_ =	sdelay $0x5  }
.Ltmp0:
0x5e: {  	(pc) =	sbr.rel @p0 .LBB2_2-.Ltmp0, $3  }
0x5f: {  	_ =	sdelay $0x1  }
0x60: {  	v2 =	vpop (erf)  }
0x61: {  	s13 =	sadd.s32 $0x10, s13;
	s16 =	sshll.u32 s12, $0x7;
	s18 =	smov.u32 s14;
	[tilespmem:s17+$0x2000] =	vst v2;
	v1 =	vmul.f32 v2, v1  }
0x62: {  	s13 =	sand.u32 $0x3FFFFC00, s16  }
0x63: {  	s13 =	sor.u32 s11, s13;
	[tilespmem:s17+$0x2080] =	vst v1  }
0x64: {  	v1 =	vld [tilespmem:s13+$0x0]  }
0x65: {  	v2 =	vld [tilespmem:s13+$0x80];
	_ =	sdelay $0x1  }
0x66: {  	v3 =	vld [tilespmem:s13+$0x100];
	_ =	sdelay $0x2  }
0x67: {  	v4 =	vld [tilespmem:s13+$0x180];
	vm0 =	vgt.f32 v2, v1  }
0x68: {  	v5 =	vsel vm0, v1, v2  }
0x69: {  	v1 =	vsel vm0, v2, v1;
	vm2 =	vgt.f32 v3, v5  }
0x6a: {  	v2 =	vld [tilespmem:s13+$0x200];
	vm1 =	vgt.f32 v3, v1;
	v5 =	vsel vm2, v3, v5  }
0x6b: {  	v5 =	vsel vm1, v1, v5  }
0x6c: {  	v1 =	vsel vm1, v3, v1;
	vm4 =	vgt.f32 v4, v5  }
0x6d: {  	v3 =	vld [tilespmem:s13+$0x280];
	vm3 =	vgt.f32 v4, v1;
	v5 =	vsel vm4, v4, v5  }
0x6e: {  	v5 =	vsel vm3, v1, v5  }
0x6f: {  	v1 =	vsel vm3, v4, v1;
	vm6 =	vgt.f32 v2, v5  }
0x70: {  	v61 =	vld [tilespmem:s13+$0x300];
	vm5 =	vgt.f32 v2, v1;
	v5 =	vsel vm6, v2, v5  }
0x71: {  	v5 =	vsel vm5, v1, v5  }
0x72: {  	v1 =	vsel vm5, v2, v1;
	vm8 =	vgt.f32 v3, v5  }
0x73: {  	v2 =	vld [tilespmem:s13+$0x380];
	vm7 =	vgt.f32 v3, v1;
	v5 =	vsel vm8, v3, v5  }
0x74: {  	v5 =	vsel vm7, v1, v5  }
0x75: {  	v1 =	vsel vm7, v3, v1;
	vm11 =	vgt.f32 v61, v5  }
0x76: {  	vm9 =	vgt.f32 v61, v1;
	v3 =	vsel vm11, v61, v5  }
0x77: {  	v3 =	vsel vm9, v1, v3  }
0x78: {  	v1 =	vsel vm9, v61, v1;
	vm12 =	vgt.f32 v2, v3  }
0x79: {  	vm10 =	vgt.f32 v2, v1;
	v3 =	vsel vm12, v2, v3  }
0x7a: {  	v2 =	vsel vm10, v2, v1;
	v1 =	vsel vm10, v1, v3  }
0x7b: {  	v1 =	vsub.f32 v1, v2;
	_ =	sdelay $0x1  }
0x7c: {  	v1 =	vmul.f32 $1.442695020e+00, v1;
	_ =	sdelay $0x1  }
0x7d: {  	(erf) = vpow2.f32 v1;
	_ =	sdelay $0x6  }
0x7e: {  	vm13 =	vmneg vm0  }
0x7f: {  	v1 =	vsel vm13, $0x1, v0  }
0x80: {  	v3 =	vsel vm0, $0x1, v0;
	v1 =	vsel vm2, $0x2, v1;
	v2 =	vpop (erf)  }
0x81: {  	v1 =	vsel vm1, v3, v1;
	v62 =	vadd.f32 $1.000000000e+00, v2  }
0x82: {  	v3 =	vsel vm1, $0x2, v3;
	v1 =	vsel vm4, $0x3, v1  }
0x83: {  	v1 =	vsel vm3, v3, v1;
	(erf) = vrcp.f32 v62  }
0x84: {  	v3 =	vsel vm3, $0x3, v3;
	v1 =	vsel vm6, $0x4, v1  }
0x85: {  	v1 =	vsel vm5, v3, v1  }
0x86: {  	v3 =	vsel vm5, $0x4, v3;
	v1 =	vsel vm8, $0x5, v1  }
0x87: {  	v1 =	vsel vm7, v3, v1;
	v3 =	vsel vm7, $0x5, v3  }
0x88: {  	v1 =	vsel vm11, $0x6, v1;
	v63 =	vsel vm9, $0x6, v3  }
0x89: {  	s12 =	sshll.u32 s12, $0x5;
	v1 =	vsel vm9, v3, v1;
	v3 =	vsel vm10, $0x7, v63  }
0x8a: {  	s12 =	sand.u32 $0xFFFFFF00, s12  }
0x8b: {  	s31 =	sor.u32 s11, s12;
	v1 =	vsel vm12, $0x7, v1  }
0x8c: {  	[tilespmem:s31+$0x2800] =	vst v3;
	v1 =	vsel vm10, v63, v1;
	v3 =	vpop (erf)  }
0x8d: {  	[tilespmem:s31+$0x2880] =	vst v1;
	v1 =	vmul.f32 v3, v2  }
0x8e: {  	[tilespmem:s31+$0x2000] =	vst v3  }
0x8f: {  	[tilespmem:s31+$0x2080] =	vst v1  }
0x90: {  	[hbm4b:s4+s2] =	stream.linear.scatter [tilespmem:s8], [sflag:$0x1], $0x800, $0x38;
	[tilespmem:$0x3000] =	vst v63  }
0x91: {  	s10 =	sadd.s32 $0x1, s10  }
0x92: {  	[hbm4b:s5+s2] =	stream.linear.scatter [tilespmem:s9], [sflag:$0x1], $0x800, $0x38;
	[tilespmem:$0x3000] =	vst v63  }
0x93: {  	p0 =	sne.s32 s10, s6;
	_ =	swait.ge [sflag:s7], $0x800  }
.Ltmp1:
0x94: {  	[sflag:s7] =	ssyncset.done $0x0;
	(pc) =	sbr.rel @p0 .LBB2_1-.Ltmp1, $4  }
0x95: {  	[sflag:s7] =	ssyncadd.s32 $0xFFFFF800  }
0x96: {  	_ =	swait.ge [sflag:s7], $0x800  }
0x97: {  	[sflag:s7] =	ssyncset.done $0x0  }
0x98: {  	[sflag:s7] =	ssyncadd.s32 $0xFFFFF800  }
0x99: {  	_ =	sfence.sel $0x180000  }
0x9a: {  	[bflag:$0x0] =	sbarrier.arrive $0xFFFF  }
0x9b: {  	p0 =	sne.s32 s1, $0x0;
	_ =	strace $0x90000047  }
0x9c: {  	s0 =	sadd.s32 @!p0 $0x100000, s0;
	[bflag:$0x2] =	sbarrier.arrive $0xFFFF  }
0x9d: {  	[sflag:s0] =	ssyncadd.tile.s32 @!p0 $0x1;
	_ =	shalt  }
.Lfunc_end2:
_tile_overlayer_lowered:
.L_overlay_start_2:
0x9e: {  	(tag) =	ssettag $0x2  }
0x9f: {  	s0 =	rddreg [dreg:$0x0];
	s2 =	stileid.u32  }
0xa0: {  	s1 =	rddreg [dreg:$0x1];
	p0 =	sne.s32 s2, $0x0  }
0xa1: {  	s3 =	rddreg [dreg:$0x2];
	[bflag:$0x3] =	sbarrier.arrive $0xFFFF;
	s2 =	simm.s32 @!p0 $0x1C02  }
0xa2: {  	[timem:s3], [sflag:s2] =	dma.local @!p0 [hbm:s0], s1  }
0xa3: {  	s0 =	simm.s32 @!p0 $0x2  }
0xa4: {  	_ =	swait.ge @!p0 [sflag:s0], s1  }
0xa5: {  	s1 =	ssub.s32 @!p0 $0x0, s1;
	[sflag:s0] =	ssyncset.done @!p0 $0x0  }
0xa6: {  	[sflag:s0] =	ssyncadd.s32 @!p0 s1  }
0xa7: {  	[bflag:$0x3] =	sbarrier.arrive $0xFFFF  }
0xa8: {  	_ =	shalt  }

</sc_bundles>
